<compile_context>
chip_gen: v7x
topology: tpu7x:2x2x1
jax: 0.10.2.dev20260603
libtpu: 0.0.44.dev20260713+nightly
codegen_flags: <defaults>
</compile_context>

<pallas_src>
import functools

import numpy as np

import jax
import jax.numpy as jnp
from jax import lax
from jax.experimental import pallas as pl
from jax.experimental.pallas import tpu as pltpu
from jax.experimental.pallas import tpu_sc as plsc

_BR = 1024
_L = 16384
_E = 128
_O = 8
_NBLK = _L // _BR


def _pos_tables(seq_len, emb_size, br):
    pos = np.arange(1, emb_size + 1, dtype=np.float64)
    w = 1.0 / np.power(10000.0, 2.0 * pos / emb_size)
    t = np.arange(1, br + 1, dtype=np.float64).reshape(-1, 1)
    a0 = t * w
    even = (np.arange(emb_size) % 2) == 0
    p0 = np.where(even, np.sin(a0), np.cos(a0)).astype(np.float32)
    q0 = np.where(even, np.cos(a0), -np.sin(a0)).astype(np.float32)
    nblk = seq_len // br
    off = (br * np.arange(nblk, dtype=np.float64).reshape(-1, 1)) * w
    cbx = np.repeat(np.cos(off), _O, axis=0).astype(np.float32)
    sbx = np.repeat(np.sin(off), _O, axis=0).astype(np.float32)
    return (np.ascontiguousarray(p0.T), np.ascontiguousarray(q0.T),
            cbx, sbx)


_P0T, _Q0T, _CBX, _SBX = _pos_tables(_L, _E, _BR)


def _sc_gather(idx, table, start, num):
    info = plsc.get_sparse_core_info()
    nw = info.num_cores * info.num_subcores
    d = table.shape[1]
    b_per_w = num // nw
    ch = 128
    n_ch = b_per_w // ch

    mesh = plsc.VectorSubcoreMesh(core_axis_name="c", subcore_axis_name="s")

    @functools.partial(
        pl.kernel,
        mesh=mesh,
        out_type=jax.ShapeDtypeStruct((num, d), jnp.float32),
        scratch_types=[
            pltpu.VMEM((b_per_w,), jnp.int32),
            pltpu.VMEM((b_per_w, d), jnp.float32),
            pltpu.SemaphoreType.DMA,
            pltpu.SemaphoreType.DMA,
        ],
    )
    def gather_kernel(idx_hbm, table_hbm, out_hbm, idx_v, rows_v, sem,
                      wsem):
        wid = lax.axis_index("s") * info.num_cores + lax.axis_index("c")
        base = wid * b_per_w
        pltpu.sync_copy(idx_hbm.at[pl.ds(start + base, b_per_w)], idx_v)
        copies = [
            pltpu.async_copy(
                table_hbm.at[idx_v.at[pl.ds(j * ch, ch)]],
                rows_v.at[pl.ds(j * ch, ch)],
                sem,
            )
            for j in range(n_ch)
        ]
        writes = []
        for j, c in enumerate(copies):
            c.wait()
            writes.append(pltpu.async_copy(
                rows_v.at[pl.ds(j * ch, ch)],
                out_hbm.at[pl.ds(base + j * ch, ch)],
                wsem,
            ))
        for w in writes:
            w.wait()

    return gather_kernel(idx, table)


def _tc_pos_proj(wq, bq):
    o, e = wq.shape
    br = _BR
    nblk = _NBLK

    def body(p0t_ref, q0t_ref, cbx_ref, sbx_ref, wq_ref, bq_ref, out_ref):
        wqt = jnp.concatenate([wq_ref[...]] * nblk, axis=0)
        bqt = jnp.concatenate([bq_ref[...]] * nblk, axis=0)
        a = lax.dot_general(
            wqt * cbx_ref[...], p0t_ref[...], (((1,), (0,)), ((), ())),
            preferred_element_type=jnp.float32)
        b = lax.dot_general(
            wqt * sbx_ref[...], q0t_ref[...], (((1,), (0,)), ((), ())),
            preferred_element_type=jnp.float32)
        out_ref[...] = (a + b + bqt).reshape(nblk, o, br)

    return pl.pallas_call(
        body,
        in_specs=[
            pl.BlockSpec((e, br), lambda: (0, 0)),
            pl.BlockSpec((e, br), lambda: (0, 0)),
            pl.BlockSpec((nblk * o, e), lambda: (0, 0)),
            pl.BlockSpec((nblk * o, e), lambda: (0, 0)),
            pl.BlockSpec((o, e), lambda: (0, 0)),
            pl.BlockSpec((o, 1), lambda: (0, 0)),
        ],
        out_specs=pl.BlockSpec((nblk, o, br), lambda: (0, 0, 0)),
        out_shape=jax.ShapeDtypeStruct((nblk, o, br), jnp.float32),
    )(jnp.asarray(_P0T), jnp.asarray(_Q0T), jnp.asarray(_CBX),
      jnp.asarray(_SBX), wq, bq.reshape(o, 1))


def _tc_project(emb, wq, pp, blk0, carry=None):
    o = wq.shape[0]
    e = wq.shape[1]
    br = _BR
    nb = emb.shape[0] // br

    def body(*refs):
        if carry is None:
            emba_ref, embb_ref, wq_ref, ppa_ref, ppb_ref, out_ref = refs
        else:
            _, emba_ref, embb_ref, wq_ref, ppa_ref, ppb_ref, out_ref = refs
        wq2 = wq_ref[...]
        z = jnp.zeros_like(wq2)
        c0 = jnp.concatenate([wq2, z], axis=1)
        c1 = jnp.concatenate([z, wq2], axis=1)
        w2 = jnp.concatenate(
            [c0.reshape(o, 1, 2 * e), c1.reshape(o, 1, 2 * e)], axis=1
        ).reshape(2 * o, 2 * e)
        emb2 = jnp.concatenate([emba_ref[...], embb_ref[...]], axis=1)
        acc = lax.dot_general(
            w2, emb2, (((1,), (1,)), ((), ())),
            preferred_element_type=jnp.float32)
        pp2 = jnp.concatenate(
            [ppa_ref[...].reshape(o, 1, br), ppb_ref[...].reshape(o, 1, br)],
            axis=1).reshape(o, 2 * br)
        out_ref[...] = acc.reshape(o, 2 * br) + pp2

    in_specs = [
        pl.BlockSpec((br, e), lambda j: (2 * j, 0)),
        pl.BlockSpec((br, e), lambda j: (2 * j + 1, 0)),
        pl.BlockSpec((o, e), lambda j: (0, 0)),
        pl.BlockSpec((1, o, br), lambda j: (blk0 + 2 * j, 0, 0)),
        pl.BlockSpec((1, o, br), lambda j: (blk0 + 2 * j + 1, 0, 0)),
    ]
    args = [emb, emb, wq, pp, pp]
    kwargs = {}
    if carry is not None:
        in_specs = [pl.BlockSpec(memory_space=pl.ANY)] + in_specs
        args = [carry] + args
        kwargs["input_output_aliases"] = {0: 0}

    return pl.pallas_call(
        body,
        grid=(nb // 2,),
        in_specs=in_specs,
        out_specs=pl.BlockSpec((o, 2 * br), lambda j: (0, blk0 // 2 + j)),
        out_shape=jax.ShapeDtypeStruct((o, _L), jnp.float32),
        **kwargs,
    )(*args)


def kernel(inputs, table, Wq, bq):
    pp = _tc_pos_proj(Wq, bq)
    l = inputs.shape[0]
    emb = _sc_gather(inputs, table, 0, l)
    out_t = _tc_project(emb, Wq, pp, blk0=0)
    return out_t.T

# --- scband reference (transcript-rebuilt; emitter-appended) ---
"""Pipeline reference for scband-rawencoder-71545565217433 (READ-ONLY COPY).

The authoritative reference and input builder live on the scoring server;
editing this copy changes nothing except your own understanding.
"""

import jax, jax.numpy as jnp
import numpy as np

VOCAB = 1000000
E = 128
H = 16
L = 16384


def _positional_encoding(seq_len, emb_size):
    # Faithful to torch.range (inclusive, starting at 1)
    seq = jnp.arange(1, seq_len + 1, dtype=jnp.float32).reshape(-1, 1)
    pos = jnp.arange(1, emb_size + 1, dtype=jnp.float32)
    pe = seq / jnp.power(10000.0, 2.0 * pos / emb_size)
    pe = pe.at[:, ::2].set(jnp.sin(pe[:, ::2]))
    pe = pe.at[:, 1::2].set(jnp.cos(pe[:, 1::2]))
    return pe


def setup_inputs(seed: int = 0) -> dict:
    key = jax.random.key(seed)
    k1, k2, k3 = jax.random.split(key, 3)
    inputs = jax.random.randint(k1, (L,), 0, VOCAB, dtype=jnp.int32)
    table = jax.random.normal(k2, (VOCAB, E), dtype=jnp.float32)
    Wq = jax.random.normal(k3, (E // H, E), dtype=jnp.float32) * 0.05
    bq = jnp.zeros((E // H,), dtype=jnp.float32)
    return {"inputs": inputs, "table": table, "Wq": Wq, "bq": bq}


def reference(inputs, table, Wq, bq):
    # input_type == 'query' branch of RAWEncoder.forward
    emb = jnp.take(table, inputs, axis=0)          # embedding lookup (gather)
    pe = _positional_encoding(L, E)
    emb = emb + pe[: emb.shape[0]]
    out = emb @ Wq.T + bq                          # att_q linear
    return out

if __name__ == "__main__":
    import jax
    _d = setup_inputs()
    print(jax.jit(kernel)(*tuple(_d.values())))

</pallas_src>

<mosaic_0001>
#map = affine_map<(d0, d1) -> (0)>
#map1 = affine_map<(d0, d1) -> (0, 0)>
module attributes {stable_mosaic.version = 14 : i64} {
  func.func @gather_kernel(%arg0: i32, %arg1: i32, %arg2: memref<16384xi32, #tpu.memory_space<hbm>>, %arg3: memref<1000000x128xf32, #tpu.memory_space<hbm>>, %arg4: memref<16384x128xf32, #tpu.memory_space<hbm>>, %arg5: memref<512xi32, #tpu.memory_space<vmem>>, %arg6: memref<512x128xf32, #tpu.memory_space<vmem>>, %arg7: memref<!tpu.dma_semaphore, #tpu.memory_space<semaphore_mem>>, %arg8: memref<!tpu.dma_semaphore, #tpu.memory_space<semaphore_mem>>) attributes {dimension_semantics = [#tpu.dimension_semantics<core_parallel>, #tpu.dimension_semantics<subcore_parallel>], iteration_bounds = array<i64: 2, 16>, scalar_prefetch = 0 : i64, scratch_operands = 4 : i64, tpu.core_type = #tpu.core_type<sc_vector_subcore>, window_params = [{transform_indices = #map}, {transform_indices = #map1}, {transform_indices = #map1}]} {
    %mul3A = arith.constant 2 : i32
    %mul3A_0 = arith.muli %arg1, %mul3A : i32
    %add3A = arith.addi %mul3A_0, %arg0 : i32
    %mul3A_1 = arith.constant 512 : i32
    %mul3A_2 = arith.muli %add3A, %mul3A_1 : i32
    %add3A_3 = arith.constant 0 : i32
    %add3A_4 = arith.addi %add3A_3, %mul3A_2 : i32
    "tpu.region"() ({
      %run_scoped3A = tpu.sem_alloc : memref<!tpu.dma_semaphore, #tpu.memory_space<semaphore_mem>>
      %dma_start3A_155 = tpu.memref_slice %arg2[%add3A_4] : memref<16384xi32, #tpu.memory_space<hbm>> -> memref<512xi32, #tpu.memory_space<hbm>>
      %dma_start3A_156 = tpu.memref_slice %arg2[%add3A_4] : memref<16384xi32, #tpu.memory_space<hbm>> -> memref<512xi32, #tpu.memory_space<hbm>>
      tpu.enqueue_dma source(%dma_start3A_156 : memref<512xi32, #tpu.memory_space<hbm>>) target(%arg5 : memref<512xi32, #tpu.memory_space<vmem>>) target_semaphore(%run_scoped3A : memref<!tpu.dma_semaphore, #tpu.memory_space<semaphore_mem>>)
      %dma_wait3A_157 = tpu.memref_slice %arg2[%add3A_4] : memref<16384xi32, #tpu.memory_space<hbm>> -> memref<512xi32, #tpu.memory_space<hbm>>
      %dma_wait3A_158 = tpu.memref_slice %arg2[%add3A_4] : memref<16384xi32, #tpu.memory_space<hbm>> -> memref<512xi32, #tpu.memory_space<hbm>>
      tpu.wait_dma2 semaphore(%run_scoped3A : memref<!tpu.dma_semaphore, #tpu.memory_space<semaphore_mem>>) src(%dma_wait3A_158 : memref<512xi32, #tpu.memory_space<hbm>>) dst(%arg5 : memref<512xi32, #tpu.memory_space<vmem>>)
      tpu.yield
    }) : () -> ()
    %dma_start3A = arith.constant 0 : i32
    %dma_start3A_5 = arith.constant 0 : i32
    %dma_start3A_6 = tpu.memref_slice %arg6[%dma_start3A, %dma_start3A_5] : memref<512x128xf32, #tpu.memory_space<vmem>> -> memref<128x128xf32, #tpu.memory_space<vmem>>
    %dma_start3A_7 = arith.constant 0 : i32
    %dma_start3A_8 = tpu.memref_slice %arg5[%dma_start3A_7] : memref<512xi32, #tpu.memory_space<vmem>> -> memref<128xi32, #tpu.memory_space<vmem>>
    %dma_start3A_9 = arith.constant 0 : i32
    %dma_start3A_10 = arith.constant 0 : i32
    %dma_start3A_11 = tpu.memref_slice %arg3[%dma_start3A_9, %dma_start3A_10] : memref<1000000x128xf32, #tpu.memory_space<hbm>> -> memref<1000000x128xf32, #tpu.memory_space<hbm>>
    tpu.enqueue_indirect_dma source(%dma_start3A_11 : memref<1000000x128xf32, #tpu.memory_space<hbm>>) target(%dma_start3A_6 : memref<128x128xf32, #tpu.memory_space<vmem>>) offsets(%dma_start3A_8 : memref<128xi32, #tpu.memory_space<vmem>>) semaphore(%arg7 : memref<!tpu.dma_semaphore, #tpu.memory_space<semaphore_mem>>)
    %dma_start3A_12 = arith.constant 128 : i32
    %dma_start3A_13 = arith.constant 0 : i32
    %dma_start3A_14 = tpu.memref_slice %arg6[%dma_start3A_12, %dma_start3A_13] : memref<512x128xf32, #tpu.memory_space<vmem>> -> memref<128x128xf32, #tpu.memory_space<vmem>>
    %dma_start3A_15 = arith.constant 128 : i32
    %dma_start3A_16 = tpu.memref_slice %arg5[%dma_start3A_15] : memref<512xi32, #tpu.memory_space<vmem>> -> memref<128xi32, #tpu.memory_space<vmem>>
    %dma_start3A_17 = arith.constant 0 : i32
    %dma_start3A_18 = arith.constant 0 : i32
    %dma_start3A_19 = tpu.memref_slice %arg3[%dma_start3A_17, %dma_start3A_18] : memref<1000000x128xf32, #tpu.memory_space<hbm>> -> memref<1000000x128xf32, #tpu.memory_space<hbm>>
    tpu.enqueue_indirect_dma source(%dma_start3A_19 : memref<1000000x128xf32, #tpu.memory_space<hbm>>) target(%dma_start3A_14 : memref<128x128xf32, #tpu.memory_space<vmem>>) offsets(%dma_start3A_16 : memref<128xi32, #tpu.memory_space<vmem>>) semaphore(%arg7 : memref<!tpu.dma_semaphore, #tpu.memory_space<semaphore_mem>>)
    %dma_start3A_20 = arith.constant 256 : i32
    %dma_start3A_21 = arith.constant 0 : i32
    %dma_start3A_22 = tpu.memref_slice %arg6[%dma_start3A_20, %dma_start3A_21] : memref<512x128xf32, #tpu.memory_space<vmem>> -> memref<128x128xf32, #tpu.memory_space<vmem>>
    %dma_start3A_23 = arith.constant 256 : i32
    %dma_start3A_24 = tpu.memref_slice %arg5[%dma_start3A_23] : memref<512xi32, #tpu.memory_space<vmem>> -> memref<128xi32, #tpu.memory_space<vmem>>
    %dma_start3A_25 = arith.constant 0 : i32
    %dma_start3A_26 = arith.constant 0 : i32
    %dma_start3A_27 = tpu.memref_slice %arg3[%dma_start3A_25, %dma_start3A_26] : memref<1000000x128xf32, #tpu.memory_space<hbm>> -> memref<1000000x128xf32, #tpu.memory_space<hbm>>
    tpu.enqueue_indirect_dma source(%dma_start3A_27 : memref<1000000x128xf32, #tpu.memory_space<hbm>>) target(%dma_start3A_22 : memref<128x128xf32, #tpu.memory_space<vmem>>) offsets(%dma_start3A_24 : memref<128xi32, #tpu.memory_space<vmem>>) semaphore(%arg7 : memref<!tpu.dma_semaphore, #tpu.memory_space<semaphore_mem>>)
    %dma_start3A_28 = arith.constant 384 : i32
    %dma_start3A_29 = arith.constant 0 : i32
    %dma_start3A_30 = tpu.memref_slice %arg6[%dma_start3A_28, %dma_start3A_29] : memref<512x128xf32, #tpu.memory_space<vmem>> -> memref<128x128xf32, #tpu.memory_space<vmem>>
    %dma_start3A_31 = arith.constant 384 : i32
    %dma_start3A_32 = tpu.memref_slice %arg5[%dma_start3A_31] : memref<512xi32, #tpu.memory_space<vmem>> -> memref<128xi32, #tpu.memory_space<vmem>>
    %dma_start3A_33 = arith.constant 0 : i32
    %dma_start3A_34 = arith.constant 0 : i32
    %dma_start3A_35 = tpu.memref_slice %arg3[%dma_start3A_33, %dma_start3A_34] : memref<1000000x128xf32, #tpu.memory_space<hbm>> -> memref<1000000x128xf32, #tpu.memory_space<hbm>>
    tpu.enqueue_indirect_dma source(%dma_start3A_35 : memref<1000000x128xf32, #tpu.memory_space<hbm>>) target(%dma_start3A_30 : memref<128x128xf32, #tpu.memory_space<vmem>>) offsets(%dma_start3A_32 : memref<128xi32, #tpu.memory_space<vmem>>) semaphore(%arg7 : memref<!tpu.dma_semaphore, #tpu.memory_space<semaphore_mem>>)
    %dma_wait3A = arith.constant 0 : i32
    %dma_wait3A_36 = arith.constant 0 : i32
    %dma_wait3A_37 = tpu.memref_slice %arg6[%dma_wait3A, %dma_wait3A_36] : memref<512x128xf32, #tpu.memory_space<vmem>> -> memref<128x128xf32, #tpu.memory_space<vmem>>
    %dma_wait3A_38 = arith.constant 0 : i32
    %dma_wait3A_39 = tpu.memref_slice %arg5[%dma_wait3A_38] : memref<512xi32, #tpu.memory_space<vmem>> -> memref<128xi32, #tpu.memory_space<vmem>>
    %dma_wait3A_40 = arith.constant 0 : i32
    %dma_wait3A_41 = arith.constant 0 : i32
    %dma_wait3A_42 = tpu.memref_slice %arg3[%dma_wait3A_40, %dma_wait3A_41] : memref<1000000x128xf32, #tpu.memory_space<hbm>> -> memref<1000000x128xf32, #tpu.memory_space<hbm>>
    tpu.wait_indirect_dma semaphore(%arg7 : memref<!tpu.dma_semaphore, #tpu.memory_space<semaphore_mem>>) src(%dma_wait3A_42 : memref<1000000x128xf32, #tpu.memory_space<hbm>>) dst(%dma_wait3A_37 : memref<128x128xf32, #tpu.memory_space<vmem>>)
    %add3A_43 = arith.constant 0 : i32
    %add3A_44 = arith.addi %mul3A_2, %add3A_43 : i32
    %dma_start3A_45 = arith.constant 0 : i32
    %dma_start3A_46 = arith.constant 0 : i32
    %dma_start3A_47 = tpu.memref_slice %arg6[%dma_start3A_45, %dma_start3A_46] : memref<512x128xf32, #tpu.memory_space<vmem>> -> memref<128x128xf32, #tpu.memory_space<vmem>>
    %dma_start3A_48 = arith.constant 0 : i32
    %dma_start3A_49 = tpu.memref_slice %arg4[%add3A_44, %dma_start3A_48] : memref<16384x128xf32, #tpu.memory_space<hbm>> -> memref<128x128xf32, #tpu.memory_space<hbm>>
    %dma_start3A_50 = arith.constant 0 : i32
    %dma_start3A_51 = tpu.memref_slice %arg4[%add3A_44, %dma_start3A_50] : memref<16384x128xf32, #tpu.memory_space<hbm>> -> memref<128x128xf32, #tpu.memory_space<hbm>>
    %dma_start3A_52 = arith.constant 0 : i32
    %dma_start3A_53 = arith.constant 0 : i32
    %dma_start3A_54 = tpu.memref_slice %arg6[%dma_start3A_52, %dma_start3A_53] : memref<512x128xf32, #tpu.memory_space<vmem>> -> memref<128x128xf32, #tpu.memory_space<vmem>>
    tpu.enqueue_dma source(%dma_start3A_54 : memref<128x128xf32, #tpu.memory_space<vmem>>) target(%dma_start3A_51 : memref<128x128xf32, #tpu.memory_space<hbm>>) target_semaphore(%arg8 : memref<!tpu.dma_semaphore, #tpu.memory_space<semaphore_mem>>)
    %dma_wait3A_55 = arith.constant 128 : i32
    %dma_wait3A_56 = arith.constant 0 : i32
    %dma_wait3A_57 = tpu.memref_slice %arg6[%dma_wait3A_55, %dma_wait3A_56] : memref<512x128xf32, #tpu.memory_space<vmem>> -> memref<128x128xf32, #tpu.memory_space<vmem>>
    %dma_wait3A_58 = arith.constant 128 : i32
    %dma_wait3A_59 = tpu.memref_slice %arg5[%dma_wait3A_58] : memref<512xi32, #tpu.memory_space<vmem>> -> memref<128xi32, #tpu.memory_space<vmem>>
    %dma_wait3A_60 = arith.constant 0 : i32
    %dma_wait3A_61 = arith.constant 0 : i32
    %dma_wait3A_62 = tpu.memref_slice %arg3[%dma_wait3A_60, %dma_wait3A_61] : memref<1000000x128xf32, #tpu.memory_space<hbm>> -> memref<1000000x128xf32, #tpu.memory_space<hbm>>
    tpu.wait_indirect_dma semaphore(%arg7 : memref<!tpu.dma_semaphore, #tpu.memory_space<semaphore_mem>>) src(%dma_wait3A_62 : memref<1000000x128xf32, #tpu.memory_space<hbm>>) dst(%dma_wait3A_57 : memref<128x128xf32, #tpu.memory_space<vmem>>)
    %add3A_63 = arith.constant 128 : i32
    %add3A_64 = arith.addi %mul3A_2, %add3A_63 : i32
    %dma_start3A_65 = arith.constant 128 : i32
    %dma_start3A_66 = arith.constant 0 : i32
    %dma_start3A_67 = tpu.memref_slice %arg6[%dma_start3A_65, %dma_start3A_66] : memref<512x128xf32, #tpu.memory_space<vmem>> -> memref<128x128xf32, #tpu.memory_space<vmem>>
    %dma_start3A_68 = arith.constant 0 : i32
    %dma_start3A_69 = tpu.memref_slice %arg4[%add3A_64, %dma_start3A_68] : memref<16384x128xf32, #tpu.memory_space<hbm>> -> memref<128x128xf32, #tpu.memory_space<hbm>>
    %dma_start3A_70 = arith.constant 0 : i32
    %dma_start3A_71 = tpu.memref_slice %arg4[%add3A_64, %dma_start3A_70] : memref<16384x128xf32, #tpu.memory_space<hbm>> -> memref<128x128xf32, #tpu.memory_space<hbm>>
    %dma_start3A_72 = arith.constant 128 : i32
    %dma_start3A_73 = arith.constant 0 : i32
    %dma_start3A_74 = tpu.memref_slice %arg6[%dma_start3A_72, %dma_start3A_73] : memref<512x128xf32, #tpu.memory_space<vmem>> -> memref<128x128xf32, #tpu.memory_space<vmem>>
    tpu.enqueue_dma source(%dma_start3A_74 : memref<128x128xf32, #tpu.memory_space<vmem>>) target(%dma_start3A_71 : memref<128x128xf32, #tpu.memory_space<hbm>>) target_semaphore(%arg8 : memref<!tpu.dma_semaphore, #tpu.memory_space<semaphore_mem>>)
    %dma_wait3A_75 = arith.constant 256 : i32
    %dma_wait3A_76 = arith.constant 0 : i32
    %dma_wait3A_77 = tpu.memref_slice %arg6[%dma_wait3A_75, %dma_wait3A_76] : memref<512x128xf32, #tpu.memory_space<vmem>> -> memref<128x128xf32, #tpu.memory_space<vmem>>
    %dma_wait3A_78 = arith.constant 256 : i32
    %dma_wait3A_79 = tpu.memref_slice %arg5[%dma_wait3A_78] : memref<512xi32, #tpu.memory_space<vmem>> -> memref<128xi32, #tpu.memory_space<vmem>>
    %dma_wait3A_80 = arith.constant 0 : i32
    %dma_wait3A_81 = arith.constant 0 : i32
    %dma_wait3A_82 = tpu.memref_slice %arg3[%dma_wait3A_80, %dma_wait3A_81] : memref<1000000x128xf32, #tpu.memory_space<hbm>> -> memref<1000000x128xf32, #tpu.memory_space<hbm>>
    tpu.wait_indirect_dma semaphore(%arg7 : memref<!tpu.dma_semaphore, #tpu.memory_space<semaphore_mem>>) src(%dma_wait3A_82 : memref<1000000x128xf32, #tpu.memory_space<hbm>>) dst(%dma_wait3A_77 : memref<128x128xf32, #tpu.memory_space<vmem>>)
    %add3A_83 = arith.constant 256 : i32
    %add3A_84 = arith.addi %mul3A_2, %add3A_83 : i32
    %dma_start3A_85 = arith.constant 256 : i32
    %dma_start3A_86 = arith.constant 0 : i32
    %dma_start3A_87 = tpu.memref_slice %arg6[%dma_start3A_85, %dma_start3A_86] : memref<512x128xf32, #tpu.memory_space<vmem>> -> memref<128x128xf32, #tpu.memory_space<vmem>>
    %dma_start3A_88 = arith.constant 0 : i32
    %dma_start3A_89 = tpu.memref_slice %arg4[%add3A_84, %dma_start3A_88] : memref<16384x128xf32, #tpu.memory_space<hbm>> -> memref<128x128xf32, #tpu.memory_space<hbm>>
    %dma_start3A_90 = arith.constant 0 : i32
    %dma_start3A_91 = tpu.memref_slice %arg4[%add3A_84, %dma_start3A_90] : memref<16384x128xf32, #tpu.memory_space<hbm>> -> memref<128x128xf32, #tpu.memory_space<hbm>>
    %dma_start3A_92 = arith.constant 256 : i32
    %dma_start3A_93 = arith.constant 0 : i32
    %dma_start3A_94 = tpu.memref_slice %arg6[%dma_start3A_92, %dma_start3A_93] : memref<512x128xf32, #tpu.memory_space<vmem>> -> memref<128x128xf32, #tpu.memory_space<vmem>>
    tpu.enqueue_dma source(%dma_start3A_94 : memref<128x128xf32, #tpu.memory_space<vmem>>) target(%dma_start3A_91 : memref<128x128xf32, #tpu.memory_space<hbm>>) target_semaphore(%arg8 : memref<!tpu.dma_semaphore, #tpu.memory_space<semaphore_mem>>)
    %dma_wait3A_95 = arith.constant 384 : i32
    %dma_wait3A_96 = arith.constant 0 : i32
    %dma_wait3A_97 = tpu.memref_slice %arg6[%dma_wait3A_95, %dma_wait3A_96] : memref<512x128xf32, #tpu.memory_space<vmem>> -> memref<128x128xf32, #tpu.memory_space<vmem>>
    %dma_wait3A_98 = arith.constant 384 : i32
    %dma_wait3A_99 = tpu.memref_slice %arg5[%dma_wait3A_98] : memref<512xi32, #tpu.memory_space<vmem>> -> memref<128xi32, #tpu.memory_space<vmem>>
    %dma_wait3A_100 = arith.constant 0 : i32
    %dma_wait3A_101 = arith.constant 0 : i32
    %dma_wait3A_102 = tpu.memref_slice %arg3[%dma_wait3A_100, %dma_wait3A_101] : memref<1000000x128xf32, #tpu.memory_space<hbm>> -> memref<1000000x128xf32, #tpu.memory_space<hbm>>
    tpu.wait_indirect_dma semaphore(%arg7 : memref<!tpu.dma_semaphore, #tpu.memory_space<semaphore_mem>>) src(%dma_wait3A_102 : memref<1000000x128xf32, #tpu.memory_space<hbm>>) dst(%dma_wait3A_97 : memref<128x128xf32, #tpu.memory_space<vmem>>)
    %add3A_103 = arith.constant 384 : i32
    %add3A_104 = arith.addi %mul3A_2, %add3A_103 : i32
    %dma_start3A_105 = arith.constant 384 : i32
    %dma_start3A_106 = arith.constant 0 : i32
    %dma_start3A_107 = tpu.memref_slice %arg6[%dma_start3A_105, %dma_start3A_106] : memref<512x128xf32, #tpu.memory_space<vmem>> -> memref<128x128xf32, #tpu.memory_space<vmem>>
    %dma_start3A_108 = arith.constant 0 : i32
    %dma_start3A_109 = tpu.memref_slice %arg4[%add3A_104, %dma_start3A_108] : memref<16384x128xf32, #tpu.memory_space<hbm>> -> memref<128x128xf32, #tpu.memory_space<hbm>>
    %dma_start3A_110 = arith.constant 0 : i32
    %dma_start3A_111 = tpu.memref_slice %arg4[%add3A_104, %dma_start3A_110] : memref<16384x128xf32, #tpu.memory_space<hbm>> -> memref<128x128xf32, #tpu.memory_space<hbm>>
    %dma_start3A_112 = arith.constant 384 : i32
    %dma_start3A_113 = arith.constant 0 : i32
    %dma_start3A_114 = tpu.memref_slice %arg6[%dma_start3A_112, %dma_start3A_113] : memref<512x128xf32, #tpu.memory_space<vmem>> -> memref<128x128xf32, #tpu.memory_space<vmem>>
    tpu.enqueue_dma source(%dma_start3A_114 : memref<128x128xf32, #tpu.memory_space<vmem>>) target(%dma_start3A_111 : memref<128x128xf32, #tpu.memory_space<hbm>>) target_semaphore(%arg8 : memref<!tpu.dma_semaphore, #tpu.memory_space<semaphore_mem>>)
    %dma_wait3A_115 = arith.constant 0 : i32
    %dma_wait3A_116 = arith.constant 0 : i32
    %dma_wait3A_117 = tpu.memref_slice %arg6[%dma_wait3A_115, %dma_wait3A_116] : memref<512x128xf32, #tpu.memory_space<vmem>> -> memref<128x128xf32, #tpu.memory_space<vmem>>
    %dma_wait3A_118 = arith.constant 0 : i32
    %dma_wait3A_119 = tpu.memref_slice %arg4[%add3A_44, %dma_wait3A_118] : memref<16384x128xf32, #tpu.memory_space<hbm>> -> memref<128x128xf32, #tpu.memory_space<hbm>>
    %dma_wait3A_120 = arith.constant 0 : i32
    %dma_wait3A_121 = tpu.memref_slice %arg4[%add3A_44, %dma_wait3A_120] : memref<16384x128xf32, #tpu.memory_space<hbm>> -> memref<128x128xf32, #tpu.memory_space<hbm>>
    %dma_wait3A_122 = arith.constant 0 : i32
    %dma_wait3A_123 = arith.constant 0 : i32
    %dma_wait3A_124 = tpu.memref_slice %arg6[%dma_wait3A_122, %dma_wait3A_123] : memref<512x128xf32, #tpu.memory_space<vmem>> -> memref<128x128xf32, #tpu.memory_space<vmem>>
    tpu.wait_dma2 semaphore(%arg8 : memref<!tpu.dma_semaphore, #tpu.memory_space<semaphore_mem>>) src(%dma_wait3A_124 : memref<128x128xf32, #tpu.memory_space<vmem>>) dst(%dma_wait3A_121 : memref<128x128xf32, #tpu.memory_space<hbm>>)
    %dma_wait3A_125 = arith.constant 128 : i32
    %dma_wait3A_126 = arith.constant 0 : i32
    %dma_wait3A_127 = tpu.memref_slice %arg6[%dma_wait3A_125, %dma_wait3A_126] : memref<512x128xf32, #tpu.memory_space<vmem>> -> memref<128x128xf32, #tpu.memory_space<vmem>>
    %dma_wait3A_128 = arith.constant 0 : i32
    %dma_wait3A_129 = tpu.memref_slice %arg4[%add3A_64, %dma_wait3A_128] : memref<16384x128xf32, #tpu.memory_space<hbm>> -> memref<128x128xf32, #tpu.memory_space<hbm>>
    %dma_wait3A_130 = arith.constant 0 : i32
    %dma_wait3A_131 = tpu.memref_slice %arg4[%add3A_64, %dma_wait3A_130] : memref<16384x128xf32, #tpu.memory_space<hbm>> -> memref<128x128xf32, #tpu.memory_space<hbm>>
    %dma_wait3A_132 = arith.constant 128 : i32
    %dma_wait3A_133 = arith.constant 0 : i32
    %dma_wait3A_134 = tpu.memref_slice %arg6[%dma_wait3A_132, %dma_wait3A_133] : memref<512x128xf32, #tpu.memory_space<vmem>> -> memref<128x128xf32, #tpu.memory_space<vmem>>
    tpu.wait_dma2 semaphore(%arg8 : memref<!tpu.dma_semaphore, #tpu.memory_space<semaphore_mem>>) src(%dma_wait3A_134 : memref<128x128xf32, #tpu.memory_space<vmem>>) dst(%dma_wait3A_131 : memref<128x128xf32, #tpu.memory_space<hbm>>)
    %dma_wait3A_135 = arith.constant 256 : i32
    %dma_wait3A_136 = arith.constant 0 : i32
    %dma_wait3A_137 = tpu.memref_slice %arg6[%dma_wait3A_135, %dma_wait3A_136] : memref<512x128xf32, #tpu.memory_space<vmem>> -> memref<128x128xf32, #tpu.memory_space<vmem>>
    %dma_wait3A_138 = arith.constant 0 : i32
    %dma_wait3A_139 = tpu.memref_slice %arg4[%add3A_84, %dma_wait3A_138] : memref<16384x128xf32, #tpu.memory_space<hbm>> -> memref<128x128xf32, #tpu.memory_space<hbm>>
    %dma_wait3A_140 = arith.constant 0 : i32
    %dma_wait3A_141 = tpu.memref_slice %arg4[%add3A_84, %dma_wait3A_140] : memref<16384x128xf32, #tpu.memory_space<hbm>> -> memref<128x128xf32, #tpu.memory_space<hbm>>
    %dma_wait3A_142 = arith.constant 256 : i32
    %dma_wait3A_143 = arith.constant 0 : i32
    %dma_wait3A_144 = tpu.memref_slice %arg6[%dma_wait3A_142, %dma_wait3A_143] : memref<512x128xf32, #tpu.memory_space<vmem>> -> memref<128x128xf32, #tpu.memory_space<vmem>>
    tpu.wait_dma2 semaphore(%arg8 : memref<!tpu.dma_semaphore, #tpu.memory_space<semaphore_mem>>) src(%dma_wait3A_144 : memref<128x128xf32, #tpu.memory_space<vmem>>) dst(%dma_wait3A_141 : memref<128x128xf32, #tpu.memory_space<hbm>>)
    %dma_wait3A_145 = arith.constant 384 : i32
    %dma_wait3A_146 = arith.constant 0 : i32
    %dma_wait3A_147 = tpu.memref_slice %arg6[%dma_wait3A_145, %dma_wait3A_146] : memref<512x128xf32, #tpu.memory_space<vmem>> -> memref<128x128xf32, #tpu.memory_space<vmem>>
    %dma_wait3A_148 = arith.constant 0 : i32
    %dma_wait3A_149 = tpu.memref_slice %arg4[%add3A_104, %dma_wait3A_148] : memref<16384x128xf32, #tpu.memory_space<hbm>> -> memref<128x128xf32, #tpu.memory_space<hbm>>
    %dma_wait3A_150 = arith.constant 0 : i32
    %dma_wait3A_151 = tpu.memref_slice %arg4[%add3A_104, %dma_wait3A_150] : memref<16384x128xf32, #tpu.memory_space<hbm>> -> memref<128x128xf32, #tpu.memory_space<hbm>>
    %dma_wait3A_152 = arith.constant 384 : i32
    %dma_wait3A_153 = arith.constant 0 : i32
    %dma_wait3A_154 = tpu.memref_slice %arg6[%dma_wait3A_152, %dma_wait3A_153] : memref<512x128xf32, #tpu.memory_space<vmem>> -> memref<128x128xf32, #tpu.memory_space<vmem>>
    tpu.wait_dma2 semaphore(%arg8 : memref<!tpu.dma_semaphore, #tpu.memory_space<semaphore_mem>>) src(%dma_wait3A_154 : memref<128x128xf32, #tpu.memory_space<vmem>>) dst(%dma_wait3A_151 : memref<128x128xf32, #tpu.memory_space<hbm>>)
    return
  }
}

module attributes {stable_mosaic.version = 14 : i64} {
  func.func @body(%arg0: i32, %arg1: memref<1024x128xf32, #tpu.memory_space<vmem>>, %arg2: memref<1024x128xf32, #tpu.memory_space<vmem>>, %arg3: memref<8x128xf32, #tpu.memory_space<vmem>>, %arg4: memref<1x8x1024xf32, #tpu.memory_space<vmem>>, %arg5: memref<1x8x1024xf32, #tpu.memory_space<vmem>>, %arg6: memref<8x2048xf32, #tpu.memory_space<vmem>>) attributes {dimension_semantics = [#tpu.dimension_semantics<arbitrary>], iteration_bounds = array<i64: 8>, scalar_prefetch = 0 : i64, scratch_operands = 0 : i64, tpu.core_type = #tpu.core_type<tc>, window_params = [{transform_indices = @transform_0, window_bounds = array<i64: 1024, 128>}, {transform_indices = @transform_1, window_bounds = array<i64: 1024, 128>}, {pipeline_mode = #tpu.pipeline_mode<synchronous>, transform_indices = @transform_2, window_bounds = array<i64: 8, 128>}, {transform_indices = @transform_3, window_bounds = array<i64: 1, 8, 1024>}, {transform_indices = @transform_4, window_bounds = array<i64: 1, 8, 1024>}, {transform_indices = @transform_5, window_bounds = array<i64: 8, 2048>}]} {
    %get3A = arith.constant 0 : index
    %get3A_0 = arith.constant 0 : index
    %get3A_1 = vector.load %arg3[%get3A, %get3A_0] : memref<8x128xf32, #tpu.memory_space<vmem>>, vector<8x128xf32>
    %broadcast_in_dim3A = arith.constant 0.000000e+00 : f32
    %broadcast_in_dim3A_2 = vector.broadcast %broadcast_in_dim3A : f32 to vector<8x128xf32>
    %concatenate3A = tpu.concatenate %get3A_1, %broadcast_in_dim3A_2 in 1 : vector<8x128xf32>, vector<8x128xf32> -> vector<8x256xf32>
    %concatenate3A_3 = tpu.concatenate %broadcast_in_dim3A_2, %get3A_1 in 1 : vector<8x128xf32>, vector<8x128xf32> -> vector<8x256xf32>
    %reshape3A = vector.shape_cast %concatenate3A : vector<8x256xf32> to vector<8x1x256xf32>
    %reshape3A_4 = vector.shape_cast %concatenate3A_3 : vector<8x256xf32> to vector<8x1x256xf32>
    %concatenate3A_5 = tpu.concatenate %reshape3A, %reshape3A_4 in 1 : vector<8x1x256xf32>, vector<8x1x256xf32> -> vector<8x2x256xf32>
    %reshape3A_6 = vector.shape_cast %concatenate3A_5 : vector<8x2x256xf32> to vector<16x256xf32>
    %get3A_7 = arith.constant 0 : index
    %get3A_8 = arith.constant 0 : index
    %get3A_9 = vector.load %arg1[%get3A_7, %get3A_8] : memref<1024x128xf32, #tpu.memory_space<vmem>>, vector<1024x128xf32>
    %get3A_10 = arith.constant 0 : index
    %get3A_11 = arith.constant 0 : index
    %get3A_12 = vector.load %arg2[%get3A_10, %get3A_11] : memref<1024x128xf32, #tpu.memory_space<vmem>>, vector<1024x128xf32>
    %concatenate3A_13 = tpu.concatenate %get3A_9, %get3A_12 in 1 : vector<1024x128xf32>, vector<1024x128xf32> -> vector<1024x256xf32>
    %dot_general3A = arith.constant dense<0.000000e+00> : vector<16x1024xf32>
    %dot_general3A_14 = tpu.matmul %reshape3A_6, %concatenate3A_13, %dot_general3A {dimension_numbers = #tpu.dot_dimension_numbers<[1], [1], [0], [0], [0, 0, 1, 0], [], []>, transpose_lhs_hint = false} : vector<16x256xf32>, vector<1024x256xf32>, vector<16x1024xf32> -> vector<16x1024xf32>
    %get3A_15 = arith.constant 0 : index
    %get3A_16 = arith.constant 0 : index
    %get3A_17 = arith.constant 0 : index
    %get3A_18 = vector.load %arg4[%get3A_15, %get3A_16, %get3A_17] : memref<1x8x1024xf32, #tpu.memory_space<vmem>>, vector<1x8x1024xf32>
    %reshape3A_19 = vector.shape_cast %get3A_18 : vector<1x8x1024xf32> to vector<8x1x1024xf32>
    %get3A_20 = arith.constant 0 : index
    %get3A_21 = arith.constant 0 : index
    %get3A_22 = arith.constant 0 : index
    %get3A_23 = vector.load %arg5[%get3A_20, %get3A_21, %get3A_22] : memref<1x8x1024xf32, #tpu.memory_space<vmem>>, vector<1x8x1024xf32>
    %reshape3A_24 = vector.shape_cast %get3A_23 : vector<1x8x1024xf32> to vector<8x1x1024xf32>
    %concatenate3A_25 = tpu.concatenate %reshape3A_19, %reshape3A_24 in 1 : vector<8x1x1024xf32>, vector<8x1x1024xf32> -> vector<8x2x1024xf32>
    %reshape3A_26 = vector.shape_cast %concatenate3A_25 : vector<8x2x1024xf32> to vector<8x2048xf32>
    %reshape3A_27 = vector.shape_cast %dot_general3A_14 : vector<16x1024xf32> to vector<8x2048xf32>
    %add3A = arith.addf %reshape3A_27, %reshape3A_26 : vector<8x2048xf32>
    %swap3A = arith.constant 0 : index
    %swap3A_28 = arith.constant 0 : index
    %swap3A_29 = vector.load %arg6[%swap3A, %swap3A_28] : memref<8x2048xf32, #tpu.memory_space<vmem>>, vector<8x2048xf32>
    tpu.vector_store %arg6[%swap3A, %swap3A_28], %add3A {strides = array<i32>} : memref<8x2048xf32, #tpu.memory_space<vmem>>, vector<8x2048xf32>,
    return
  }
  func.func @transform_0(%arg0: i32) -> (i32, i32) {
    %mul3A = arith.constant 2 : i32
    %mul3A_0 = arith.muli %mul3A, %arg0 : i32
    %c0_i32 = arith.constant 0 : i32
    %c0_i32_1 = arith.constant 0 : i32
    return %mul3A_0, %c0_i32 : i32, i32
  }
  func.func @transform_1(%arg0: i32) -> (i32, i32) {
    %mul3A = arith.constant 2 : i32
    %mul3A_0 = arith.muli %mul3A, %arg0 : i32
    %add3A = arith.constant 1 : i32
    %add3A_1 = arith.addi %mul3A_0, %add3A : i32
    %c0_i32 = arith.constant 0 : i32
    %c0_i32_2 = arith.constant 0 : i32
    return %add3A_1, %c0_i32 : i32, i32
  }
  func.func @transform_2(%arg0: i32) -> (i32, i32) {
    %c0_i32 = arith.constant 0 : i32
    %c0_i32_0 = arith.constant 0 : i32
    %c0_i32_1 = arith.constant 0 : i32
    return %c0_i32, %c0_i32_0 : i32, i32
  }
  func.func @transform_3(%arg0: i32) -> (i32, i32, i32) {
    %mul3A = arith.constant 2 : i32
    %mul3A_0 = arith.muli %mul3A, %arg0 : i32
    %add3A = arith.constant 0 : i32
    %add3A_1 = arith.addi %add3A, %mul3A_0 : i32
    %c0_i32 = arith.constant 0 : i32
    %c0_i32_2 = arith.constant 0 : i32
    %c0_i32_3 = arith.constant 0 : i32
    return %add3A_1, %c0_i32, %c0_i32_2 : i32, i32, i32
  }
  func.func @transform_4(%arg0: i32) -> (i32, i32, i32) {
    %mul3A = arith.constant 2 : i32
    %mul3A_0 = arith.muli %mul3A, %arg0 : i32
    %add3A = arith.constant 0 : i32
    %add3A_1 = arith.addi %add3A, %mul3A_0 : i32
    %add3A_2 = arith.constant 1 : i32
    %add3A_3 = arith.addi %add3A_1, %add3A_2 : i32
    %c0_i32 = arith.constant 0 : i32
    %c0_i32_4 = arith.constant 0 : i32
    %c0_i32_5 = arith.constant 0 : i32
    return %add3A_3, %c0_i32, %c0_i32_4 : i32, i32, i32
  }
  func.func @transform_5(%arg0: i32) -> (i32, i32) {
    %add3A = arith.constant 0 : i32
    %add3A_0 = arith.addi %add3A, %arg0 : i32
    %c0_i32 = arith.constant 0 : i32
    %c0_i32_1 = arith.constant 0 : i32
    return %c0_i32, %add3A_0 : i32, i32
  }
}

module attributes {stable_mosaic.version = 14 : i64} {
  func.func @body(%arg0: memref<128x1024xf32, #tpu.memory_space<vmem>>, %arg1: memref<128x1024xf32, #tpu.memory_space<vmem>>, %arg2: memref<128x128xf32, #tpu.memory_space<vmem>>, %arg3: memref<128x128xf32, #tpu.memory_space<vmem>>, %arg4: memref<8x128xf32, #tpu.memory_space<vmem>>, %arg5: memref<8x1xf32, #tpu.memory_space<vmem>>, %arg6: memref<16x8x1024xf32, #tpu.memory_space<vmem>>) attributes {dimension_semantics = [], scalar_prefetch = 0 : i64, scratch_operands = 0 : i64, tpu.core_type = #tpu.core_type<tc>} {
    %get3A = arith.constant 0 : index
    %get3A_0 = arith.constant 0 : index
    %get3A_1 = vector.load %arg4[%get3A, %get3A_0] : memref<8x128xf32, #tpu.memory_space<vmem>>, vector<8x128xf32>
    %concatenate3A = tpu.concatenate %get3A_1, %get3A_1, %get3A_1, %get3A_1, %get3A_1, %get3A_1, %get3A_1, %get3A_1, %get3A_1, %get3A_1, %get3A_1, %get3A_1, %get3A_1, %get3A_1, %get3A_1, %get3A_1 in 0 : vector<8x128xf32>, vector<8x128xf32>, vector<8x128xf32>, vector<8x128xf32>, vector<8x128xf32>, vector<8x128xf32>, vector<8x128xf32>, vector<8x128xf32>, vector<8x128xf32>, vector<8x128xf32>, vector<8x128xf32>, vector<8x128xf32>, vector<8x128xf32>, vector<8x128xf32>, vector<8x128xf32>, vector<8x128xf32> -> vector<128x128xf32>
    %get3A_2 = arith.constant 0 : index
    %get3A_3 = arith.constant 0 : index
    %get3A_4 = vector.load %arg5[%get3A_2, %get3A_3] : memref<8x1xf32, #tpu.memory_space<vmem>>, vector<8x1xf32>
    %concatenate3A_5 = tpu.concatenate %get3A_4, %get3A_4, %get3A_4, %get3A_4, %get3A_4, %get3A_4, %get3A_4, %get3A_4, %get3A_4, %get3A_4, %get3A_4, %get3A_4, %get3A_4, %get3A_4, %get3A_4, %get3A_4 in 0 : vector<8x1xf32>, vector<8x1xf32>, vector<8x1xf32>, vector<8x1xf32>, vector<8x1xf32>, vector<8x1xf32>, vector<8x1xf32>, vector<8x1xf32>, vector<8x1xf32>, vector<8x1xf32>, vector<8x1xf32>, vector<8x1xf32>, vector<8x1xf32>, vector<8x1xf32>, vector<8x1xf32>, vector<8x1xf32> -> vector<128x1xf32>
    %get3A_6 = arith.constant 0 : index
    %get3A_7 = arith.constant 0 : index
    %get3A_8 = vector.load %arg2[%get3A_6, %get3A_7] : memref<128x128xf32, #tpu.memory_space<vmem>>, vector<128x128xf32>
    %mul3A = arith.mulf %concatenate3A, %get3A_8 : vector<128x128xf32>
    %get3A_9 = arith.constant 0 : index
    %get3A_10 = arith.constant 0 : index
    %get3A_11 = vector.load %arg0[%get3A_9, %get3A_10] : memref<128x1024xf32, #tpu.memory_space<vmem>>, vector<128x1024xf32>
    %dot_general3A = arith.constant dense<0.000000e+00> : vector<128x1024xf32>
    %dot_general3A_12 = tpu.matmul %mul3A, %get3A_11, %dot_general3A {dimension_numbers = #tpu.dot_dimension_numbers<[1], [0], [0], [1], [0, 0, 1, 1], [], []>, transpose_lhs_hint = false} : vector<128x128xf32>, vector<128x1024xf32>, vector<128x1024xf32> -> vector<128x1024xf32>
    %get3A_13 = arith.constant 0 : index
    %get3A_14 = arith.constant 0 : index
    %get3A_15 = vector.load %arg3[%get3A_13, %get3A_14] : memref<128x128xf32, #tpu.memory_space<vmem>>, vector<128x128xf32>
    %mul3A_16 = arith.mulf %concatenate3A, %get3A_15 : vector<128x128xf32>
    %get3A_17 = arith.constant 0 : index
    %get3A_18 = arith.constant 0 : index
    %get3A_19 = vector.load %arg1[%get3A_17, %get3A_18] : memref<128x1024xf32, #tpu.memory_space<vmem>>, vector<128x1024xf32>
    %dot_general3A_20 = arith.constant dense<0.000000e+00> : vector<128x1024xf32>
    %dot_general3A_21 = tpu.matmul %mul3A_16, %get3A_19, %dot_general3A_20 {dimension_numbers = #tpu.dot_dimension_numbers<[1], [0], [0], [1], [0, 0, 1, 1], [], []>, transpose_lhs_hint = false} : vector<128x128xf32>, vector<128x1024xf32>, vector<128x1024xf32> -> vector<128x1024xf32>
    %add3A = arith.addf %dot_general3A_12, %dot_general3A_21 : vector<128x1024xf32>
    %add3A_22 = vector.broadcast %concatenate3A_5 : vector<128x1xf32> to vector<128x1024xf32>
    %add3A_23 = arith.addf %add3A, %add3A_22 : vector<128x1024xf32>
    %reshape3A = vector.shape_cast %add3A_23 : vector<128x1024xf32> to vector<16x8x1024xf32>
    %swap3A = arith.constant 0 : index
    %swap3A_24 = arith.constant 0 : index
    %swap3A_25 = arith.constant 0 : index
    %swap3A_26 = vector.load %arg6[%swap3A, %swap3A_24, %swap3A_25] : memref<16x8x1024xf32, #tpu.memory_space<vmem>>, vector<16x8x1024xf32>
    tpu.vector_store %arg6[%swap3A, %swap3A_24, %swap3A_25], %reshape3A {strides = array<i32>} : memref<16x8x1024xf32, #tpu.memory_space<vmem>>, vector<16x8x1024xf32>,
    return
  }
}

</mosaic_0001>

<sc_bundles>
// kernel: kernel.5.cloned.1.call-start
scs
__scs_entry_jumppad:
0x0: {  	(pc) =	sbr.rel $0x88, $3  }
0x1: {  	(tag) =	ssettag $0x0;
	lr =	simm.s32 $0x1  }
0x2: {  	[smem:$0x3F9D] =	sst lr;
	_ =	strace $0xD0000000  }
0x3: {  	_ = 	snop  }
0x4: {  	_ = 	snop  }
0x5: {  	_ = 	snop  }
0x6: {  	_ = 	snop  }
0x7: {  	_ = 	snop  }
__scs_overlays_trampoline_lowered:
0x8: {  	[smem:$0x3FAC] =	sst s0  }
0x9: {  	[smem:$0x3FAD] =	sst s1  }
0xa: {  	[smem:$0x3FAE] =	sst s2  }
0xb: {  	[smem:$0x3FAF] =	sst s3  }
0xc: {  	[smem:$0x3FB0] =	sst s4  }
0xd: {  	[smem:$0x3FB1] =	sst s5  }
0xe: {  	[smem:$0x3FB2] =	sst s6  }
0xf: {  	[smem:$0x3FB3] =	sst s7  }
0x10: {  	[smem:$0x3FB4] =	sst s8  }
0x11: {  	[smem:$0x3FB5] =	sst s9;
	s0 =	simm.s32 @!p0 $0x0  }
0x12: {  	s1 =	sld [smem:$0x3F9B];
	s0 =	simm.s32 @p0 $0x1  }
0x13: {  	[smem:$0x3FB6] =	sst s0;
	s0 =	simm.s32 @!p1 $0x0  }
0x14: {  	s2 =	sld [smem:$0x3F9A];
	s0 =	simm.s32 @p1 $0x1  }
0x15: {  	[smem:$0x3FB7] =	sst s0;
	s0 =	simm.s32 @!p2 $0x0  }
0x16: {  	s3 =	sld [smem:$0x3FDB];
	s0 =	simm.s32 @p2 $0x1  }
0x17: {  	s4 =	simm.s32 $0x1BF5;
	[smem:$0x3FB9] =	sst s0  }
0x18: {  	s0 =	sld [smem:$0x3F9C];
	_ =	swait.ge [sflag:s4], $0x0  }
0x19: {  	s7 =	sld [smem:$0x3F9D]  }
0x1a: {  	s8 =	sadd.s32 $0xFFFFE003, lr  }
0x1b: {  	s9 =	sadd.s32 $0xFFFFFEF7, lr;
	s5 =	simm.s32 $0xFFFFFFFF;
	p2 =	slt.u32 s8, $0xFFFFF086  }
0x1c: {  	p1 =	slt.u32 s9, $0xF7A;
	s5 =	simm.s32 @!p2 $0x0  }
0x1d: {  	s5 =	simm.s32 @p1 $0x1;
	p0 =	seq.s32 s7, s2  }
0x1e: {  	s7 =	smul.u32 @!p0 $0xF7A, s2;
	p2 =	seq.s32 @!p0 s5, $0x0  }
0x1f: {  	s9 =	smul.u32 $0xF7A, s1;
	s8 =	simm.s32 @!p0 $0x1BF5;
	p2 =	por !p2, p0  }
0x20: {  	[sflag:s8] =	ssyncset.s32 @!p0 $0xFFFFF086;
	s6 =	sadd.s32 @!p0 s3, s7;
	s7 =	simm.s32 @!p0 $0x108  }
0x21: {  	s3 =	sadd.s32 s3, s9;
	s6 =	sadd.s32 @!p0 $0x88, s6;
	s7 =	simm.s32 @p2 $0x1082  }
0x22: {  	[simem:s7], [sflag:s8] =	dma.local @!p0 [hbm:s6], $0xF7A  }
0x23: {  	s9 =	sor.u32 $0xD0000000, s2;
	s6 =	simm.s32 $0x108;
	_ =	swait.ge @!p0 [sflag:s8], $0x0  }
0x24: {  	s3 =	sadd.s32 $0x88, s3;
	s6 =	simm.s32 @!p1 $0x1082;
	[sflag:s4] =	ssyncset.s32 $0xFFFFF086  }
0x25: {  	[simem:s6], [sflag:s4] =	dma.local [hbm:s3], $0xF7A  }
0x26: {  	[smem:$0x3F9D] =	sst s1;
	(tag) =	ssettag s2;
	_ =	strace s9  }
0x27: {  	s1 =	sld [smem:$0x3FAD]  }
0x28: {  	s2 =	sld [smem:$0x3FAE]  }
0x29: {  	s4 =	sld [smem:$0x3FB0]  }
0x2a: {  	p0 =	seq.s32 s5, $0x0;
	s5 =	sld [smem:$0x3FB1]  }
0x2b: {  	s6 =	sld [smem:$0x3FB2]  }
0x2c: {  	s7 =	sld [smem:$0x3FB3]  }
0x2d: {  	s3 =	simm.s32 $0x108;
	s8 =	sld [smem:$0x3FB4]  }
0x2e: {  	s3 =	simm.s32 @!p0 $0x1082;
	s9 =	sld [smem:$0x3FB5]  }
0x2f: {  	lr =	sadd.s32 s0, s3;
	s0 =	sld [smem:$0x3FAC]  }
0x30: {  	s3 =	sld [smem:$0x3FAF]  }
0x31: {  	[smem:$0x3FB8] =	sst s10  }
0x32: {  	s10 =	sld [smem:$0x3FB6];
	_ =	sdelay $0x3  }
0x33: {  	p0 =	seq.s32 s10, $0x1;
	s10 =	sld [smem:$0x3FB8];
	_ =	sdelay $0x3  }
0x34: {  	[smem:$0x3FB8] =	sst s10  }
0x35: {  	s10 =	sld [smem:$0x3FB7];
	_ =	sdelay $0x3  }
0x36: {  	p1 =	seq.s32 s10, $0x1;
	s10 =	sld [smem:$0x3FB8];
	_ =	sdelay $0x3  }
0x37: {  	[smem:$0x3FB8] =	sst s10  }
0x38: {  	s10 =	sld [smem:$0x3FB9]  }
0x39: {  	_ = 	snop;
	(pc) =	sbr.ind lr, $3  }
0x3a: {  	_ = 	snop  }
0x3b: {  	_ = 	snop  }
0x3c: {  	p2 =	seq.s32 s10, $0x1;
	s10 =	sld [smem:$0x3FB8]  }
0x3d: {  	_ =	shalt  }
0x3e: {  	_ =	shalt  }
0x3f: {  	_ =	shalt  }
0x40: {  	_ =	shalt  }
0x41: {  	_ =	shalt  }
0x42: {  	_ =	shalt  }
0x43: {  	_ =	shalt  }
0x44: {  	_ =	shalt  }
0x45: {  	_ =	shalt  }
0x46: {  	_ =	shalt  }
0x47: {  	_ =	shalt  }
0x48: {  	_ =	shalt  }
0x49: {  	_ =	shalt  }
0x4a: {  	_ =	shalt  }
0x4b: {  	_ =	shalt  }
0x4c: {  	_ =	shalt  }
0x4d: {  	_ =	shalt  }
0x4e: {  	_ =	shalt  }
0x4f: {  	_ =	shalt  }
0x50: {  	_ =	shalt  }
0x51: {  	_ =	shalt  }
0x52: {  	_ =	shalt  }
0x53: {  	_ =	shalt  }
0x54: {  	_ =	shalt  }
0x55: {  	_ =	shalt  }
0x56: {  	_ =	shalt  }
0x57: {  	_ =	shalt  }
0x58: {  	_ =	shalt  }
0x59: {  	_ =	shalt  }
0x5a: {  	_ =	shalt  }
0x5b: {  	_ =	shalt  }
0x5c: {  	_ =	shalt  }
0x5d: {  	_ =	shalt  }
0x5e: {  	_ =	shalt  }
0x5f: {  	_ =	shalt  }
0x60: {  	_ =	shalt  }
0x61: {  	_ =	shalt  }
0x62: {  	_ =	shalt  }
0x63: {  	_ =	shalt  }
0x64: {  	_ =	shalt  }
0x65: {  	_ =	shalt  }
0x66: {  	_ =	shalt  }
0x67: {  	_ =	shalt  }
0x68: {  	_ =	shalt  }
0x69: {  	_ =	shalt  }
0x6a: {  	_ =	shalt  }
0x6b: {  	_ =	shalt  }
0x6c: {  	_ =	shalt  }
0x6d: {  	_ =	shalt  }
0x6e: {  	_ =	shalt  }
0x6f: {  	_ =	shalt  }
0x70: {  	_ =	shalt  }
0x71: {  	_ =	shalt  }
0x72: {  	_ =	shalt  }
0x73: {  	_ =	shalt  }
0x74: {  	_ =	shalt  }
0x75: {  	_ =	shalt  }
0x76: {  	_ =	shalt  }
0x77: {  	_ =	shalt  }
0x78: {  	_ =	shalt  }
0x79: {  	_ =	shalt  }
0x7a: {  	_ =	shalt  }
0x7b: {  	_ =	shalt  }
0x7c: {  	_ =	shalt  }
0x7d: {  	_ =	shalt  }
0x7e: {  	_ =	shalt  }
0x7f: {  	_ =	shalt  }
0x80: {  	_ =	shalt  }
0x81: {  	_ =	shalt  }
0x82: {  	_ =	shalt  }
0x83: {  	_ =	shalt  }
0x84: {  	_ =	shalt  }
0x85: {  	_ =	shalt  }
0x86: {  	_ =	shalt  }
0x87: {  	_ =	shalt  }
.Lfunc_end0:
.L_simem_size_0:
called_computation_lowered:
.L_overlay_start_0:
0x88: {  	s2 =	sld [smem:$0x3FD9]  }
0x89: {  	s3 =	sld [smem:$0x3FFE];
	_ =	sdelay $0x1  }
0x8a: {  	s1 =	srdreg.scid  }
0x8b: {  	s0 =	sand.u32 $0x1, s1  }
0x8c: {  	s17 =	sshll.u32 s0, $0xA;
	s2 =	sadd.s32 s3, s2  }
0x8d: {  	s2 =	sadd.s32 s2, s17  }
0x8e: {  	[smem:$0x3FC4] =	sst s2  }
0x8f: {  	_ = 	snop  }
0x90: {  	s2 =	sld [smem:$0x3FC9]  }
0x91: {  	s18 =	sld [smem:$0x3FC8];
	(tm) =	ssettm $0x1  }
0x92: {  	s4 =	sld [smem:$0x3FFB];
	_ =	sdelay $0x3  }
0x93: {  	_ =	strace s4  }
0x94: {  	s4 =	sld [smem:$0x3FFC];
	_ =	sdelay $0x3  }
0x95: {  	_ =	strace s4  }
0x96: {  	s4 =	sld [smem:$0x3FFD];
	_ =	sdelay $0x3  }
0x97: {  	_ =	strace s4  }
0x98: {  	_ =	strace $0x8FFFFFFF  }
0x99: {  	s19 =	sld [smem:$0x3FDB];
	_ =	sdelay $0x1  }
0x9a: {  	s5 =	simm.s32 $_scs_section_size  }
0x9b: {  	s6 =	simm.s32 $_size__tile_overlayer_lowered;
	s7 =	simm.s32 $_tile_overlayer_lowered  }
0x9c: {  	s22 =	simm.s32 $0x1BFF;
	s21 =	sshll.u32 s7, $0x1;
	s4 =	sadd.s32 s5, s19  }
0x9d: {  	s8 =	simm.s32 $0x0;
	s20 =	sshll.u32 s6, $0x1;
	s6 =	sadd.s32 s21, s4  }
0x9e: {  	[timem:s8], [sflag:s22] =	dma.local [hbm:s6], s20  }
0x9f: {  	_ =	swait.ge [sflag:s22], s20  }
0xa0: {  	s5 =	ssub.s32 $0x0, s20;
	[sflag:s22] =	ssyncset.done $0x0  }
0xa1: {  	[sflag:s22] =	ssyncadd.s32 s5;
	_ =	sdelay $0x1  }
0xa2: {  	s23 =	simm.s32 $0x1B8B  }
0xa3: {  	_ =	swait.ge [sflag:s23], $0x1  }
0xa4: {  	[sflag:s23] =	ssyncset.done $0x0  }
0xa5: {  	s25 =	simm.s32 $0x1B8E;
	s24 =	sld [smem:$0x3FFE];
	[sflag:s23] =	ssyncadd.s32 $0xFFFFFFFF  }
0xa6: {  	s26 =	simm.s32 $execute0_lowered;
	[smem:$0x3FD2] =	sst s25  }
0xa7: {  	s6 =	sshll.u32 s26, $0x1;
	_ =	strace $0x80000046;
	[dreg:$0x1] =	wrdreg $0xFFFFFFFF  }
0xa8: {  	s28 =	simm.s32 $_size_execute0_lowered;
	s4 =	sadd.s32 s4, s6;
	[dreg:$0x0] =	wrdreg $0x0  }
0xa9: {  	s6 =	sshll.u32 s28, $0x1;
	[dreg:$0x2] =	wrdreg s4  }
0xaa: {  	[dreg:$0x3] =	wrdreg s6  }
0xab: {  	[dreg:$0x4] =	wrdreg $0xC0  }
0xac: {  	_ =	task [dreg:s8], $0x5FFFF  }
0xad: {  	[dreg:$0x1] =	wrdreg $0xFFFFFFFF  }
0xae: {  	[dreg:$0x0] =	wrdreg $0x60  }
0xaf: {  	[dreg:$0x2] =	wrdreg s2  }
0xb0: {  	[dreg:$0x3] =	wrdreg s18  }
0xb1: {  	[dreg:$0x4] =	wrdreg s24  }
0xb2: {  	[dreg:$0x5] =	wrdreg $0x9  }
0xb3: {  	_ =	task.clear_ibuf [dreg:s8], $0x6FFFF;
	_ =	strace $0x90000046  }
0xb4: {  	s29 =	simm.s32 $0x9;
	_ =	strace $0x80000048  }
0xb5: {  	_ =	swait.ge [sflag:s29], $0x1  }
0xb6: {  	[sflag:s29] =	ssyncadd.s32 $0xFFFFFFFF  }
0xb7: {  	_ =	strace $0x90000048  }
0xb8: {  	_ =	sfence  }
0xb9: {  	s30 =	sld [smem:$0x0];
	_ =	sdelay $0x2  }
0xba: {  	s31 =	sshll.u32 s1, $0xD;
	s1 =	sshrl.u32 s1, $0x2  }
0xbb: {  	s3 =	sand.u32 $0x4000, s31;
	s1 =	sadd.s32 s1, s30  }
0xbc: {  	s0 =	sor.u32 s3, s0;
	s1 =	sshll.u32 s1, $0x11  }
0xbd: {  	s0 =	sor.u32 s1, s0  }
0xbe: {  	s0 =	sadd.s32 $0x8F2B, s0  }
0xbf: {  	[sflag:s0] =	ssyncadd.remote.s32 $0x1  }
0xc0: {  	_ =	sfence.sel $0xFFFF  }
0xc1: {  	[dreg:$0x0] =	wrdreg $0xFFFFFFFF;
	(pc) =	sbr.abs _section_cstart, $3  }
0xc2: {  	[dreg:$0x1] =	wrdreg $0xFFFFFFFF  }
0xc3: {  	_ =	task.clear_ibuf [dreg:s8], $0x2FFFF;
	_ =	strace $0x9FFFFFFF  }
0xc4: {  	(tm) =	ssettm $0x7FFFFFFF  }
0xc5: {  	_ =	shalt  }
tec
execute0_lowered:
.L_overlay_start_1:
0x0: {  	(tag) =	ssettag $0x1  }
0x1: {  	s4 =	rddreg [dreg:$0x0];
	s1 =	srdreg.scid  }
0x2: {  	s2 =	rddreg [dreg:$0x1];
	s0 =	stileid.u32;
	s19 =	sand.u32 $0x1, s1  }
0x3: {  	s14 =	rddreg [dreg:$0x2];
	s5 =	sshll.u32 s0, $0xA;
	s6 =	sshll.u32 s19, $0x9  }
0x4: {  	s3 =	simm.s32 $0x0;
	s1 =	rddreg [dreg:$0x3];
	s15 =	sor.u32 s6, s5  }
0x5: {  	[smem:$0x7FF] =	sst s3;
	s5 =	sshrl.u32 s15, $0x3  }
0x6: {  	_ =	strace $0x80000047;
	s4 =	sadd.s32 s4, s5;
	s5 =	simm.s32 $0x3  }
0x7: {  	[tilespmem:s3], [sflag:$0x3] =	stream.linear.gather [hbm4b:s4+s3], $0x200, $0x38;
	[tilespmem:$0x10200] =	vst v63  }
0x8: {  	_ =	swait.ge [sflag:s5], $0x200  }
0x9: {  	[sflag:s5] =	ssyncset.done $0x0  }
0xa: {  	s7 =	simm.s32 $0x200;
	s6 =	simm.s32 $0x80;
	[sflag:s5] =	ssyncadd.s32 $0xFFFFFE00  }
0xb: {  	[tilespmem:s7], [sflag:$0x1] =	stream.indirect.gather [hbm4b:s2+s6], $0x80, s3, s6, $0xb8;
	[tilespmem:$0x10200] =	vst v63  }
0xc: {  	s8 =	simm.s32 $0x4200  }
0xd: {  	[tilespmem:s8], [sflag:$0x1] =	stream.indirect.gather [hbm4b:s2+s6], $0x80, s6, s6, $0xb8;
	[tilespmem:$0x10200] =	vst v63  }
0xe: {  	s9 =	simm.s32 $0x100;
	s10 =	simm.s32 $0x8200  }
0xf: {  	[tilespmem:s10], [sflag:$0x1] =	stream.indirect.gather [hbm4b:s2+s6], $0x80, s9, s6, $0xb8;
	[tilespmem:$0x10200] =	vst v63  }
0x10: {  	s11 =	simm.s32 $0x180;
	s12 =	simm.s32 $0xC200;
	s13 =	simm.s32 $0x1  }
0x11: {  	[tilespmem:s12], [sflag:$0x1] =	stream.indirect.gather [hbm4b:s2+s6], $0x80, s11, s6, $0xb8;
	[tilespmem:$0x10200] =	vst v63  }
0x12: {  	s15 =	sshll.u32 s15, $0x4;
	_ =	swait.ge [sflag:s13], $0x4000  }
0x13: {  	s17 =	sadd.s32 s15, s14;
	[sflag:s13] =	ssyncset.done $0x0  }
0x14: {  	s14 =	sadd.s32 $0x1200, s17;
	[sflag:s13] =	ssyncadd.s32 $0xFFFFC000  }
0x15: {  	[hbm4b:s14+s3] =	stream.linear.scatter [tilespmem:s7], [sflag:$0x2], $0x4000, $0x38;
	[tilespmem:$0x10200] =	vst v63  }
0x16: {  	_ =	swait.ge [sflag:s13], $0x4000  }
0x17: {  	[sflag:s13] =	ssyncset.done $0x0  }
0x18: {  	s15 =	sadd.s32 $0x1A00, s17;
	[sflag:s13] =	ssyncadd.s32 $0xFFFFC000  }
0x19: {  	[hbm4b:s15+s3] =	stream.linear.scatter [tilespmem:s8], [sflag:$0x2], $0x4000, $0x38;
	[tilespmem:$0x10200] =	vst v63  }
0x1a: {  	_ =	swait.ge [sflag:s13], $0x4000  }
0x1b: {  	[sflag:s13] =	ssyncset.done $0x0  }
0x1c: {  	s16 =	sadd.s32 $0x2200, s17;
	[sflag:s13] =	ssyncadd.s32 $0xFFFFC000  }
0x1d: {  	[hbm4b:s16+s3] =	stream.linear.scatter [tilespmem:s10], [sflag:$0x2], $0x4000, $0x38;
	[tilespmem:$0x10200] =	vst v63  }
0x1e: {  	_ =	swait.ge [sflag:s13], $0x4000  }
0x1f: {  	[sflag:s13] =	ssyncset.done $0x0  }
0x20: {  	s18 =	sadd.s32 $0x2A00, s17;
	s17 =	simm.s32 $0x2;
	[sflag:s13] =	ssyncadd.s32 $0xFFFFC000  }
0x21: {  	[hbm4b:s18+s3] =	stream.linear.scatter [tilespmem:s12], [sflag:$0x2], $0x4000, $0x38;
	[tilespmem:$0x10200] =	vst v63  }
0x22: {  	_ =	swait.ge [sflag:s17], $0x4000  }
0x23: {  	s19 =	ssub.s32 $0x2, s19;
	[sflag:s17] =	ssyncset.done $0x0  }
0x24: {  	s20 =	sshrl.u32 s19, $0x1;
	[sflag:s17] =	ssyncadd.s32 $0xFFFFC000  }
0x25: {  	s19 =	ssub.s32 s19, s20;
	_ =	swait.ge [sflag:s17], $0x4000  }
0x26: {  	s19 =	smax.u32 s19, $0x1;
	[sflag:s17] =	ssyncset.done $0x0  }
0x27: {  	p0 =	sne.s32 s19, $0x1;
	[sflag:s17] =	ssyncadd.s32 $0xFFFFC000  }
.Ltmp0:
0x28: {  	_ =	swait.ge [sflag:s17], $0x4000;
	(pc) =	sbr.rel @!p0 .LBB2_2-.Ltmp0, $4  }
0x29: {  	[sflag:s17] =	ssyncset.done $0x0  }
0x2a: {  	[sflag:s17] =	ssyncadd.s32 $0xFFFFC000  }
0x2b: {  	_ =	swait.ge [sflag:s17], $0x4000  }
0x2c: {  	s19 =	sadd.s32 $0xFFFFFFFF, s19;
	[sflag:s17] =	ssyncset.done $0x0  }
.LBB2_1:
0x2d: {  	p0 =	sne.s32 s19, $0x1;
	s19 =	sadd.s32 $0xFFFFFFFF, s19;
	[sflag:s17] =	ssyncadd.s32 $0xFFFFC000  }
0x2e: {  	[tilespmem:s3], [sflag:$0x3] =	stream.linear.gather [hbm4b:s4+s3], $0x200, $0x38;
	[tilespmem:$0x10200] =	vst v63  }
0x2f: {  	_ =	swait.ge [sflag:s5], $0x200  }
0x30: {  	[sflag:s5] =	ssyncset.done $0x0  }
0x31: {  	[sflag:s5] =	ssyncadd.s32 $0xFFFFFE00  }
0x32: {  	[tilespmem:s7], [sflag:$0x1] =	stream.indirect.gather [hbm4b:s2+s6], $0x80, s3, s6, $0xb8;
	[tilespmem:$0x10200] =	vst v63  }
0x33: {  	_ = 	snop  }
0x34: {  	[tilespmem:s8], [sflag:$0x1] =	stream.indirect.gather [hbm4b:s2+s6], $0x80, s6, s6, $0xb8;
	[tilespmem:$0x10200] =	vst v63  }
0x35: {  	_ = 	snop  }
0x36: {  	[tilespmem:s10], [sflag:$0x1] =	stream.indirect.gather [hbm4b:s2+s6], $0x80, s9, s6, $0xb8;
	[tilespmem:$0x10200] =	vst v63  }
0x37: {  	_ = 	snop  }
0x38: {  	[tilespmem:s12], [sflag:$0x1] =	stream.indirect.gather [hbm4b:s2+s6], $0x80, s11, s6, $0xb8;
	[tilespmem:$0x10200] =	vst v63  }
0x39: {  	_ =	swait.ge [sflag:s13], $0x4000  }
0x3a: {  	[sflag:s13] =	ssyncset.done $0x0  }
0x3b: {  	[sflag:s13] =	ssyncadd.s32 $0xFFFFC000  }
0x3c: {  	[hbm4b:s14+s3] =	stream.linear.scatter [tilespmem:s7], [sflag:$0x2], $0x4000, $0x38;
	[tilespmem:$0x10200] =	vst v63  }
0x3d: {  	_ =	swait.ge [sflag:s13], $0x4000  }
0x3e: {  	[sflag:s13] =	ssyncset.done $0x0  }
0x3f: {  	[sflag:s13] =	ssyncadd.s32 $0xFFFFC000  }
0x40: {  	[hbm4b:s15+s3] =	stream.linear.scatter [tilespmem:s8], [sflag:$0x2], $0x4000, $0x38;
	[tilespmem:$0x10200] =	vst v63  }
0x41: {  	_ =	swait.ge [sflag:s13], $0x4000  }
0x42: {  	[sflag:s13] =	ssyncset.done $0x0  }
0x43: {  	[sflag:s13] =	ssyncadd.s32 $0xFFFFC000  }
0x44: {  	[hbm4b:s16+s3] =	stream.linear.scatter [tilespmem:s10], [sflag:$0x2], $0x4000, $0x38;
	[tilespmem:$0x10200] =	vst v63  }
0x45: {  	_ =	swait.ge [sflag:s13], $0x4000  }
0x46: {  	[sflag:s13] =	ssyncset.done $0x0  }
0x47: {  	[sflag:s13] =	ssyncadd.s32 $0xFFFFC000  }
0x48: {  	[hbm4b:s18+s3] =	stream.linear.scatter [tilespmem:s12], [sflag:$0x2], $0x4000, $0x38;
	[tilespmem:$0x10200] =	vst v63  }
0x49: {  	_ =	swait.ge [sflag:s17], $0x4000  }
0x4a: {  	[sflag:s17] =	ssyncset.done $0x0  }
0x4b: {  	[sflag:s17] =	ssyncadd.s32 $0xFFFFC000  }
0x4c: {  	_ =	swait.ge [sflag:s17], $0x4000  }
0x4d: {  	[sflag:s17] =	ssyncset.done $0x0  }
0x4e: {  	[sflag:s17] =	ssyncadd.s32 $0xFFFFC000  }
.Ltmp1:
0x4f: {  	_ =	swait.ge [sflag:s17], $0x4000;
	(pc) =	sbr.rel @p0 .LBB2_1-.Ltmp1, $4  }
0x50: {  	[sflag:s17] =	ssyncset.done $0x0  }
0x51: {  	[sflag:s17] =	ssyncadd.s32 $0xFFFFC000  }
0x52: {  	_ =	swait.ge [sflag:s17], $0x4000  }
0x53: {  	[sflag:s17] =	ssyncset.done $0x0  }
.LBB2_2:
0x54: {  	[sflag:s17] =	ssyncadd.s32 $0xFFFFC000  }
0x55: {  	_ =	sfence.sel $0x180000  }
0x56: {  	[bflag:$0x0] =	sbarrier.arrive $0xFFFF  }
0x57: {  	p0 =	sne.s32 s0, $0x0;
	_ =	strace $0x90000047  }
0x58: {  	s0 =	sadd.s32 @!p0 $0x100000, s1;
	[bflag:$0x2] =	sbarrier.arrive $0xFFFF  }
0x59: {  	[sflag:s0] =	ssyncadd.tile.s32 @!p0 $0x1;
	_ =	shalt  }
.Lfunc_end2:
_tile_overlayer_lowered:
.L_overlay_start_2:
0x5a: {  	(tag) =	ssettag $0x2  }
0x5b: {  	s0 =	rddreg [dreg:$0x0];
	s2 =	stileid.u32  }
0x5c: {  	s1 =	rddreg [dreg:$0x1];
	p0 =	sne.s32 s2, $0x0  }
0x5d: {  	s3 =	rddreg [dreg:$0x2];
	[bflag:$0x3] =	sbarrier.arrive $0xFFFF;
	s2 =	simm.s32 @!p0 $0x1C03  }
0x5e: {  	[timem:s3], [sflag:s2] =	dma.local @!p0 [hbm:s0], s1  }
0x5f: {  	s0 =	simm.s32 @!p0 $0x3  }
0x60: {  	_ =	swait.ge @!p0 [sflag:s0], s1  }
0x61: {  	s1 =	ssub.s32 @!p0 $0x0, s1;
	[sflag:s0] =	ssyncset.done @!p0 $0x0  }
0x62: {  	[sflag:s0] =	ssyncadd.s32 @!p0 s1  }
0x63: {  	[bflag:$0x3] =	sbarrier.arrive $0xFFFF  }
0x64: {  	_ =	shalt  }

</sc_bundles>
